<compile_context>
chip_gen: v7x
topology: tpu7x:2x2x1
jax: 0.10.2.dev20260603
libtpu: 0.0.44.dev20260713+nightly
codegen_flags: <defaults>
</compile_context>

<pallas_src>
import functools

import jax
import jax.numpy as jnp
from jax import lax
from jax.experimental import pallas as pl
from jax.experimental.pallas import tpu as pltpu
from jax.experimental.pallas import tpu_sc as plsc

_NC, _NS = 2, 16
_NW = _NC * _NS


def kernel(rule_prob, token_prob, reference_prob, length):
    L, B, R = rule_prob.shape
    V = token_prob.shape[2]
    M = reference_prob.shape[2]
    tok_t = token_prob.transpose(0, 2, 1)
    ref_t = reference_prob.transpose(0, 2, 1)

    rb_n = B // _NW
    tb_n = 32
    tb_tail = V - 31 * tb_n
    pb_n = 2

    mesh = plsc.VectorSubcoreMesh(core_axis_name="c", subcore_axis_name="s")

    @functools.partial(
        pl.kernel,
        out_type=(
            jax.ShapeDtypeStruct((B, R), jnp.float32),
            jax.ShapeDtypeStruct((V, B), jnp.float32),
            jax.ShapeDtypeStruct((M, B), jnp.float32),
        ),
        mesh=mesh,
        scratch_types=[
            pltpu.VMEM((16,), jnp.int32),
            pltpu.VMEM((rb_n, R), jnp.float32),
            pltpu.VMEM((tb_n, B), jnp.float32),
            pltpu.VMEM((pb_n, B), jnp.float32),
            pltpu.SemaphoreType.DMA,
            pltpu.SemaphoreType.DMA,
            pltpu.SemaphoreType.DMA,
        ],
    )
    def sc_copy(len_hbm, rule_hbm, tok_hbm, ref_hbm, r_out, t_out, p_out,
                len_v, rbuf, tbuf, pbuf, sem_r, sem_t, sem_p):
        w = lax.axis_index("s") * _NC + lax.axis_index("c")
        pltpu.sync_copy(len_hbm, len_v.at[pl.ds(0, 1)])
        idx = len_v[...][0] - 1

        r0 = w * rb_n
        t0 = w * tb_n
        p0 = w * pb_n

        pltpu.async_copy(
            rule_hbm.at[idx, pl.ds(r0, rb_n)], rbuf, sem_r).wait()
        pltpu.async_copy(rbuf, r_out.at[pl.ds(r0, rb_n)], sem_r).wait()

        @pl.when(w < _NW - 1)
        def _():
            pltpu.async_copy(
                tok_hbm.at[idx, pl.ds(t0, tb_n)], tbuf, sem_t).wait()
            pltpu.async_copy(tbuf, t_out.at[pl.ds(t0, tb_n)], sem_t).wait()

        @pl.when(w == _NW - 1)
        def _():
            pltpu.async_copy(
                tok_hbm.at[idx, pl.ds(t0, tb_tail)],
                tbuf.at[pl.ds(0, tb_tail)], sem_t).wait()
            pltpu.async_copy(
                tbuf.at[pl.ds(0, tb_tail)],
                t_out.at[pl.ds(t0, tb_tail)], sem_t).wait()

        @pl.when(w < M // pb_n)
        def _():
            pltpu.async_copy(
                ref_hbm.at[idx, pl.ds(p0, pb_n)], pbuf, sem_p).wait()
            pltpu.async_copy(pbuf, p_out.at[pl.ds(p0, pb_n)], sem_p).wait()

    r, t_t, p_t = sc_copy(length, rule_prob, tok_t, ref_t)
    return (r, t_t.T, p_t.T)

# --- scband reference (transcript-rebuilt; emitter-appended) ---
"""Pipeline reference for scband-decoder-module-61521111547936 (READ-ONLY COPY).

The authoritative reference and input builder live on the scoring server;
editing this copy changes nothing except your own understanding.
"""

import jax, jax.numpy as jnp
import numpy as np

MAX_LEN = 50
BATCH = 1024
N_RULES = 256
VOCAB = 1000


def setup_inputs(seed: int = 0) -> dict:
    key = jax.random.key(seed)
    k1, k2, k3 = jax.random.split(key, 3)
    # Learned/precomputed probability tables (the module's __init__ args).
    rule_prob = jax.random.uniform(k1, (MAX_LEN, BATCH, N_RULES), dtype=jnp.float32)
    token_prob = jax.random.uniform(k2, (MAX_LEN, BATCH, VOCAB), dtype=jnp.float32)
    reference_prob = jax.random.uniform(k3, (MAX_LEN, BATCH, MAX_LEN), dtype=jnp.float32)
    # env['length'] : current decode length (1-indexed), so index = length - 1.
    length = jnp.ones((1,), dtype=jnp.int32)
    return {
        "rule_prob": rule_prob,
        "token_prob": token_prob,
        "reference_prob": reference_prob,
        "length": length,
    }


def reference(rule_prob, token_prob, reference_prob, length):
    # Faithful translation of DecoderModule.forward:
    #   idx = env['length'][0] - 1
    #   env['rule_probs']      = self.rule_prob[idx]
    #   env['token_probs']     = self.token_prob[idx]
    #   env['reference_probs'] = self.reference_prob[idx]
    idx = length[0] - 1
    rule_probs = jnp.take(rule_prob, idx, axis=0)
    token_probs = jnp.take(token_prob, idx, axis=0)
    reference_probs = jnp.take(reference_prob, idx, axis=0)
    return (rule_probs, token_probs, reference_probs)

if __name__ == "__main__":
    import jax
    _d = setup_inputs()
    print(jax.jit(kernel)(*tuple(_d.values())))

</pallas_src>

<mosaic_0001>
#map = affine_map<(d0, d1) -> (0)>
#map1 = affine_map<(d0, d1) -> (0, 0, 0)>
#map2 = affine_map<(d0, d1) -> (0, 0)>
module attributes {stable_mosaic.version = 14 : i64} {
  func.func @sc_copy(%arg0: i32, %arg1: i32, %arg2: memref<1xi32, #tpu.memory_space<hbm>>, %arg3: memref<50x1024x256xf32, #tpu.memory_space<hbm>>, %arg4: memref<50x1000x1024xf32, #tpu.memory_space<hbm>>, %arg5: memref<50x50x1024xf32, #tpu.memory_space<hbm>>, %arg6: memref<1024x256xf32, #tpu.memory_space<hbm>>, %arg7: memref<1000x1024xf32, #tpu.memory_space<hbm>>, %arg8: memref<50x1024xf32, #tpu.memory_space<hbm>>, %arg9: memref<16xi32, #tpu.memory_space<vmem>>, %arg10: memref<32x256xf32, #tpu.memory_space<vmem>>, %arg11: memref<32x1024xf32, #tpu.memory_space<vmem>>, %arg12: memref<2x1024xf32, #tpu.memory_space<vmem>>, %arg13: memref<!tpu.dma_semaphore, #tpu.memory_space<semaphore_mem>>, %arg14: memref<!tpu.dma_semaphore, #tpu.memory_space<semaphore_mem>>, %arg15: memref<!tpu.dma_semaphore, #tpu.memory_space<semaphore_mem>>) attributes {dimension_semantics = [#tpu.dimension_semantics<core_parallel>, #tpu.dimension_semantics<subcore_parallel>], iteration_bounds = array<i64: 2, 16>, scalar_prefetch = 0 : i64, scratch_operands = 7 : i64, tpu.core_type = #tpu.core_type<sc_vector_subcore>, window_params = [{transform_indices = #map}, {transform_indices = #map1}, {transform_indices = #map1}, {transform_indices = #map1}, {transform_indices = #map2}, {transform_indices = #map2}, {transform_indices = #map2}]} {
    %mul3A = arith.constant 2 : i32
    %mul3A_0 = arith.muli %arg1, %mul3A : i32
    %add3A = arith.addi %mul3A_0, %arg0 : i32
    "tpu.region"() ({
      %run_scoped3A = tpu.sem_alloc : memref<!tpu.dma_semaphore, #tpu.memory_space<semaphore_mem>>
      %dma_start3A_39 = arith.constant 0 : i32
      %dma_start3A_40 = tpu.memref_slice %arg9[%dma_start3A_39] : memref<16xi32, #tpu.memory_space<vmem>> -> memref<1xi32, #tpu.memory_space<vmem>>
      %dma_start3A_41 = arith.constant 0 : i32
      %dma_start3A_42 = tpu.memref_slice %arg9[%dma_start3A_41] : memref<16xi32, #tpu.memory_space<vmem>> -> memref<1xi32, #tpu.memory_space<vmem>>
      tpu.enqueue_dma source(%arg2 : memref<1xi32, #tpu.memory_space<hbm>>) target(%dma_start3A_42 : memref<1xi32, #tpu.memory_space<vmem>>) target_semaphore(%run_scoped3A : memref<!tpu.dma_semaphore, #tpu.memory_space<semaphore_mem>>)
      %dma_wait3A_43 = arith.constant 0 : i32
      %dma_wait3A_44 = tpu.memref_slice %arg9[%dma_wait3A_43] : memref<16xi32, #tpu.memory_space<vmem>> -> memref<1xi32, #tpu.memory_space<vmem>>
      %dma_wait3A_45 = arith.constant 0 : i32
      %dma_wait3A_46 = tpu.memref_slice %arg9[%dma_wait3A_45] : memref<16xi32, #tpu.memory_space<vmem>> -> memref<1xi32, #tpu.memory_space<vmem>>
      tpu.wait_dma2 semaphore(%run_scoped3A : memref<!tpu.dma_semaphore, #tpu.memory_space<semaphore_mem>>) src(%arg2 : memref<1xi32, #tpu.memory_space<hbm>>) dst(%dma_wait3A_46 : memref<1xi32, #tpu.memory_space<vmem>>)
      tpu.yield
    }) : () -> ()
    %get3A = arith.constant 0 : index
    %get3A_1 = tpu.vector_load %arg9[%get3A] {strides = array<i32>} : memref<16xi32, #tpu.memory_space<vmem>>, vector<16xi32>,
    %get3A_2 = vector.shape_cast %get3A_1 : vector<16xi32> to vector<16xi32>
    %slice3A = vector.extract_strided_slice %get3A_2 {offsets = [0], sizes = [1], strides = [1]} : vector<16xi32> to vector<1xi32>
    %squeeze3A = vector.extract %slice3A[0] : i32 from vector<1xi32>
    %sub3A = arith.constant 1 : i32
    %sub3A_3 = arith.subi %squeeze3A, %sub3A : i32
    %mul3A_4 = arith.constant 32 : i32
    %mul3A_5 = arith.muli %add3A, %mul3A_4 : i32
    %mul3A_6 = arith.constant 32 : i32
    %mul3A_7 = arith.muli %add3A, %mul3A_6 : i32
    %mul3A_8 = arith.constant 2 : i32
    %mul3A_9 = arith.muli %add3A, %mul3A_8 : i32
    %dma_start3A = arith.constant 0 : i32
    %dma_start3A_10 = tpu.memref_slice %arg3[%sub3A_3, %mul3A_5, %dma_start3A] : memref<50x1024x256xf32, #tpu.memory_space<hbm>> -> memref<1x32x256xf32, #tpu.memory_space<hbm>>
    %dma_start3A_11 = tpu.memref_squeeze %dma_start3A_10 : memref<1x32x256xf32, #tpu.memory_space<hbm>> -> memref<32x256xf32, #tpu.memory_space<hbm>>
    %dma_start3A_12 = arith.constant 0 : i32
    %dma_start3A_13 = tpu.memref_slice %arg3[%sub3A_3, %mul3A_5, %dma_start3A_12] : memref<50x1024x256xf32, #tpu.memory_space<hbm>> -> memref<1x32x256xf32, #tpu.memory_space<hbm>>
    %dma_start3A_14 = tpu.memref_squeeze %dma_start3A_13 : memref<1x32x256xf32, #tpu.memory_space<hbm>> -> memref<32x256xf32, #tpu.memory_space<hbm>>
    tpu.enqueue_dma source(%dma_start3A_14 : memref<32x256xf32, #tpu.memory_space<hbm>>) target(%arg10 : memref<32x256xf32, #tpu.memory_space<vmem>>) target_semaphore(%arg13 : memref<!tpu.dma_semaphore, #tpu.memory_space<semaphore_mem>>)
    %dma_wait3A = arith.constant 0 : i32
    %dma_wait3A_15 = tpu.memref_slice %arg3[%sub3A_3, %mul3A_5, %dma_wait3A] : memref<50x1024x256xf32, #tpu.memory_space<hbm>> -> memref<1x32x256xf32, #tpu.memory_space<hbm>>
    %dma_wait3A_16 = tpu.memref_squeeze %dma_wait3A_15 : memref<1x32x256xf32, #tpu.memory_space<hbm>> -> memref<32x256xf32, #tpu.memory_space<hbm>>
    %dma_wait3A_17 = arith.constant 0 : i32
    %dma_wait3A_18 = tpu.memref_slice %arg3[%sub3A_3, %mul3A_5, %dma_wait3A_17] : memref<50x1024x256xf32, #tpu.memory_space<hbm>> -> memref<1x32x256xf32, #tpu.memory_space<hbm>>
    %dma_wait3A_19 = tpu.memref_squeeze %dma_wait3A_18 : memref<1x32x256xf32, #tpu.memory_space<hbm>> -> memref<32x256xf32, #tpu.memory_space<hbm>>
    tpu.wait_dma2 semaphore(%arg13 : memref<!tpu.dma_semaphore, #tpu.memory_space<semaphore_mem>>) src(%dma_wait3A_19 : memref<32x256xf32, #tpu.memory_space<hbm>>) dst(%arg10 : memref<32x256xf32, #tpu.memory_space<vmem>>)
    %dma_start3A_20 = arith.constant 0 : i32
    %dma_start3A_21 = tpu.memref_slice %arg6[%mul3A_5, %dma_start3A_20] : memref<1024x256xf32, #tpu.memory_space<hbm>> -> memref<32x256xf32, #tpu.memory_space<hbm>>
    %dma_start3A_22 = arith.constant 0 : i32
    %dma_start3A_23 = tpu.memref_slice %arg6[%mul3A_5, %dma_start3A_22] : memref<1024x256xf32, #tpu.memory_space<hbm>> -> memref<32x256xf32, #tpu.memory_space<hbm>>
    tpu.enqueue_dma source(%arg10 : memref<32x256xf32, #tpu.memory_space<vmem>>) target(%dma_start3A_23 : memref<32x256xf32, #tpu.memory_space<hbm>>) target_semaphore(%arg13 : memref<!tpu.dma_semaphore, #tpu.memory_space<semaphore_mem>>)
    %dma_wait3A_24 = arith.constant 0 : i32
    %dma_wait3A_25 = tpu.memref_slice %arg6[%mul3A_5, %dma_wait3A_24] : memref<1024x256xf32, #tpu.memory_space<hbm>> -> memref<32x256xf32, #tpu.memory_space<hbm>>
    %dma_wait3A_26 = arith.constant 0 : i32
    %dma_wait3A_27 = tpu.memref_slice %arg6[%mul3A_5, %dma_wait3A_26] : memref<1024x256xf32, #tpu.memory_space<hbm>> -> memref<32x256xf32, #tpu.memory_space<hbm>>
    tpu.wait_dma2 semaphore(%arg13 : memref<!tpu.dma_semaphore, #tpu.memory_space<semaphore_mem>>) src(%arg10 : memref<32x256xf32, #tpu.memory_space<vmem>>) dst(%dma_wait3A_27 : memref<32x256xf32, #tpu.memory_space<hbm>>)
    %lt3A = arith.constant 31 : i32
    %lt3A_28 = arith.cmpi slt, %add3A, %lt3A : i32
    %convert_element_type3A = arith.extui %lt3A_28 : i1 to i32
    %cond3A = arith.constant 0 : i32
    %cond3A_29 = arith.cmpi ne, %convert_element_type3A, %cond3A : i32
    scf.if %cond3A_29 {
      %dma_start3A_39 = arith.constant 0 : i32
      %dma_start3A_40 = tpu.memref_slice %arg4[%sub3A_3, %mul3A_7, %dma_start3A_39] : memref<50x1000x1024xf32, #tpu.memory_space<hbm>> -> memref<1x32x1024xf32, #tpu.memory_space<hbm>>
      %dma_start3A_41 = tpu.memref_squeeze %dma_start3A_40 : memref<1x32x1024xf32, #tpu.memory_space<hbm>> -> memref<32x1024xf32, #tpu.memory_space<hbm>>
      %dma_start3A_42 = arith.constant 0 : i32
      %dma_start3A_43 = tpu.memref_slice %arg4[%sub3A_3, %mul3A_7, %dma_start3A_42] : memref<50x1000x1024xf32, #tpu.memory_space<hbm>> -> memref<1x32x1024xf32, #tpu.memory_space<hbm>>
      %dma_start3A_44 = tpu.memref_squeeze %dma_start3A_43 : memref<1x32x1024xf32, #tpu.memory_space<hbm>> -> memref<32x1024xf32, #tpu.memory_space<hbm>>
      tpu.enqueue_dma source(%dma_start3A_44 : memref<32x1024xf32, #tpu.memory_space<hbm>>) target(%arg11 : memref<32x1024xf32, #tpu.memory_space<vmem>>) target_semaphore(%arg14 : memref<!tpu.dma_semaphore, #tpu.memory_space<semaphore_mem>>)
      %dma_wait3A_45 = arith.constant 0 : i32
      %dma_wait3A_46 = tpu.memref_slice %arg4[%sub3A_3, %mul3A_7, %dma_wait3A_45] : memref<50x1000x1024xf32, #tpu.memory_space<hbm>> -> memref<1x32x1024xf32, #tpu.memory_space<hbm>>
      %dma_wait3A_47 = tpu.memref_squeeze %dma_wait3A_46 : memref<1x32x1024xf32, #tpu.memory_space<hbm>> -> memref<32x1024xf32, #tpu.memory_space<hbm>>
      %dma_wait3A_48 = arith.constant 0 : i32
      %dma_wait3A_49 = tpu.memref_slice %arg4[%sub3A_3, %mul3A_7, %dma_wait3A_48] : memref<50x1000x1024xf32, #tpu.memory_space<hbm>> -> memref<1x32x1024xf32, #tpu.memory_space<hbm>>
      %dma_wait3A_50 = tpu.memref_squeeze %dma_wait3A_49 : memref<1x32x1024xf32, #tpu.memory_space<hbm>> -> memref<32x1024xf32, #tpu.memory_space<hbm>>
      tpu.wait_dma2 semaphore(%arg14 : memref<!tpu.dma_semaphore, #tpu.memory_space<semaphore_mem>>) src(%dma_wait3A_50 : memref<32x1024xf32, #tpu.memory_space<hbm>>) dst(%arg11 : memref<32x1024xf32, #tpu.memory_space<vmem>>)
      %dma_start3A_51 = arith.constant 0 : i32
      %dma_start3A_52 = tpu.memref_slice %arg7[%mul3A_7, %dma_start3A_51] : memref<1000x1024xf32, #tpu.memory_space<hbm>> -> memref<32x1024xf32, #tpu.memory_space<hbm>>
      %dma_start3A_53 = arith.constant 0 : i32
      %dma_start3A_54 = tpu.memref_slice %arg7[%mul3A_7, %dma_start3A_53] : memref<1000x1024xf32, #tpu.memory_space<hbm>> -> memref<32x1024xf32, #tpu.memory_space<hbm>>
      tpu.enqueue_dma source(%arg11 : memref<32x1024xf32, #tpu.memory_space<vmem>>) target(%dma_start3A_54 : memref<32x1024xf32, #tpu.memory_space<hbm>>) target_semaphore(%arg14 : memref<!tpu.dma_semaphore, #tpu.memory_space<semaphore_mem>>)
      %dma_wait3A_55 = arith.constant 0 : i32
      %dma_wait3A_56 = tpu.memref_slice %arg7[%mul3A_7, %dma_wait3A_55] : memref<1000x1024xf32, #tpu.memory_space<hbm>> -> memref<32x1024xf32, #tpu.memory_space<hbm>>
      %dma_wait3A_57 = arith.constant 0 : i32
      %dma_wait3A_58 = tpu.memref_slice %arg7[%mul3A_7, %dma_wait3A_57] : memref<1000x1024xf32, #tpu.memory_space<hbm>> -> memref<32x1024xf32, #tpu.memory_space<hbm>>
      tpu.wait_dma2 semaphore(%arg14 : memref<!tpu.dma_semaphore, #tpu.memory_space<semaphore_mem>>) src(%arg11 : memref<32x1024xf32, #tpu.memory_space<vmem>>) dst(%dma_wait3A_58 : memref<32x1024xf32, #tpu.memory_space<hbm>>)
    } else {
    }
    %eq3A = arith.constant 31 : i32
    %eq3A_30 = arith.cmpi eq, %add3A, %eq3A : i32
    %convert_element_type3A_31 = arith.extui %eq3A_30 : i1 to i32
    %cond3A_32 = arith.constant 0 : i32
    %cond3A_33 = arith.cmpi ne, %convert_element_type3A_31, %cond3A_32 : i32
    scf.if %cond3A_33 {
      %dma_start3A_39 = arith.constant 0 : i32
      %dma_start3A_40 = arith.constant 0 : i32
      %dma_start3A_41 = tpu.memref_slice %arg11[%dma_start3A_39, %dma_start3A_40] : memref<32x1024xf32, #tpu.memory_space<vmem>> -> memref<8x1024xf32, #tpu.memory_space<vmem>>
      %dma_start3A_42 = arith.constant 0 : i32
      %dma_start3A_43 = tpu.memref_slice %arg4[%sub3A_3, %mul3A_7, %dma_start3A_42] : memref<50x1000x1024xf32, #tpu.memory_space<hbm>> -> memref<1x8x1024xf32, #tpu.memory_space<hbm>>
      %dma_start3A_44 = tpu.memref_squeeze %dma_start3A_43 : memref<1x8x1024xf32, #tpu.memory_space<hbm>> -> memref<8x1024xf32, #tpu.memory_space<hbm>>
      %dma_start3A_45 = arith.constant 0 : i32
      %dma_start3A_46 = arith.constant 0 : i32
      %dma_start3A_47 = tpu.memref_slice %arg11[%dma_start3A_45, %dma_start3A_46] : memref<32x1024xf32, #tpu.memory_space<vmem>> -> memref<8x1024xf32, #tpu.memory_space<vmem>>
      %dma_start3A_48 = arith.constant 0 : i32
      %dma_start3A_49 = tpu.memref_slice %arg4[%sub3A_3, %mul3A_7, %dma_start3A_48] : memref<50x1000x1024xf32, #tpu.memory_space<hbm>> -> memref<1x8x1024xf32, #tpu.memory_space<hbm>>
      %dma_start3A_50 = tpu.memref_squeeze %dma_start3A_49 : memref<1x8x1024xf32, #tpu.memory_space<hbm>> -> memref<8x1024xf32, #tpu.memory_space<hbm>>
      tpu.enqueue_dma source(%dma_start3A_50 : memref<8x1024xf32, #tpu.memory_space<hbm>>) target(%dma_start3A_47 : memref<8x1024xf32, #tpu.memory_space<vmem>>) target_semaphore(%arg14 : memref<!tpu.dma_semaphore, #tpu.memory_space<semaphore_mem>>)
      %dma_wait3A_51 = arith.constant 0 : i32
      %dma_wait3A_52 = arith.constant 0 : i32
      %dma_wait3A_53 = tpu.memref_slice %arg11[%dma_wait3A_51, %dma_wait3A_52] : memref<32x1024xf32, #tpu.memory_space<vmem>> -> memref<8x1024xf32, #tpu.memory_space<vmem>>
      %dma_wait3A_54 = arith.constant 0 : i32
      %dma_wait3A_55 = tpu.memref_slice %arg4[%sub3A_3, %mul3A_7, %dma_wait3A_54] : memref<50x1000x1024xf32, #tpu.memory_space<hbm>> -> memref<1x8x1024xf32, #tpu.memory_space<hbm>>
      %dma_wait3A_56 = tpu.memref_squeeze %dma_wait3A_55 : memref<1x8x1024xf32, #tpu.memory_space<hbm>> -> memref<8x1024xf32, #tpu.memory_space<hbm>>
      %dma_wait3A_57 = arith.constant 0 : i32
      %dma_wait3A_58 = arith.constant 0 : i32
      %dma_wait3A_59 = tpu.memref_slice %arg11[%dma_wait3A_57, %dma_wait3A_58] : memref<32x1024xf32, #tpu.memory_space<vmem>> -> memref<8x1024xf32, #tpu.memory_space<vmem>>
      %dma_wait3A_60 = arith.constant 0 : i32
      %dma_wait3A_61 = tpu.memref_slice %arg4[%sub3A_3, %mul3A_7, %dma_wait3A_60] : memref<50x1000x1024xf32, #tpu.memory_space<hbm>> -> memref<1x8x1024xf32, #tpu.memory_space<hbm>>
      %dma_wait3A_62 = tpu.memref_squeeze %dma_wait3A_61 : memref<1x8x1024xf32, #tpu.memory_space<hbm>> -> memref<8x1024xf32, #tpu.memory_space<hbm>>
      tpu.wait_dma2 semaphore(%arg14 : memref<!tpu.dma_semaphore, #tpu.memory_space<semaphore_mem>>) src(%dma_wait3A_62 : memref<8x1024xf32, #tpu.memory_space<hbm>>) dst(%dma_wait3A_59 : memref<8x1024xf32, #tpu.memory_space<vmem>>)
      %dma_start3A_63 = arith.constant 0 : i32
      %dma_start3A_64 = arith.constant 0 : i32
      %dma_start3A_65 = tpu.memref_slice %arg11[%dma_start3A_63, %dma_start3A_64] : memref<32x1024xf32, #tpu.memory_space<vmem>> -> memref<8x1024xf32, #tpu.memory_space<vmem>>
      %dma_start3A_66 = arith.constant 0 : i32
      %dma_start3A_67 = tpu.memref_slice %arg7[%mul3A_7, %dma_start3A_66] : memref<1000x1024xf32, #tpu.memory_space<hbm>> -> memref<8x1024xf32, #tpu.memory_space<hbm>>
      %dma_start3A_68 = arith.constant 0 : i32
      %dma_start3A_69 = tpu.memref_slice %arg7[%mul3A_7, %dma_start3A_68] : memref<1000x1024xf32, #tpu.memory_space<hbm>> -> memref<8x1024xf32, #tpu.memory_space<hbm>>
      %dma_start3A_70 = arith.constant 0 : i32
      %dma_start3A_71 = arith.constant 0 : i32
      %dma_start3A_72 = tpu.memref_slice %arg11[%dma_start3A_70, %dma_start3A_71] : memref<32x1024xf32, #tpu.memory_space<vmem>> -> memref<8x1024xf32, #tpu.memory_space<vmem>>
      tpu.enqueue_dma source(%dma_start3A_72 : memref<8x1024xf32, #tpu.memory_space<vmem>>) target(%dma_start3A_69 : memref<8x1024xf32, #tpu.memory_space<hbm>>) target_semaphore(%arg14 : memref<!tpu.dma_semaphore, #tpu.memory_space<semaphore_mem>>)
      %dma_wait3A_73 = arith.constant 0 : i32
      %dma_wait3A_74 = arith.constant 0 : i32
      %dma_wait3A_75 = tpu.memref_slice %arg11[%dma_wait3A_73, %dma_wait3A_74] : memref<32x1024xf32, #tpu.memory_space<vmem>> -> memref<8x1024xf32, #tpu.memory_space<vmem>>
      %dma_wait3A_76 = arith.constant 0 : i32
      %dma_wait3A_77 = tpu.memref_slice %arg7[%mul3A_7, %dma_wait3A_76] : memref<1000x1024xf32, #tpu.memory_space<hbm>> -> memref<8x1024xf32, #tpu.memory_space<hbm>>
      %dma_wait3A_78 = arith.constant 0 : i32
      %dma_wait3A_79 = tpu.memref_slice %arg7[%mul3A_7, %dma_wait3A_78] : memref<1000x1024xf32, #tpu.memory_space<hbm>> -> memref<8x1024xf32, #tpu.memory_space<hbm>>
      %dma_wait3A_80 = arith.constant 0 : i32
      %dma_wait3A_81 = arith.constant 0 : i32
      %dma_wait3A_82 = tpu.memref_slice %arg11[%dma_wait3A_80, %dma_wait3A_81] : memref<32x1024xf32, #tpu.memory_space<vmem>> -> memref<8x1024xf32, #tpu.memory_space<vmem>>
      tpu.wait_dma2 semaphore(%arg14 : memref<!tpu.dma_semaphore, #tpu.memory_space<semaphore_mem>>) src(%dma_wait3A_82 : memref<8x1024xf32, #tpu.memory_space<vmem>>) dst(%dma_wait3A_79 : memref<8x1024xf32, #tpu.memory_space<hbm>>)
    } else {
    }
    %lt3A_34 = arith.constant 25 : i32
    %lt3A_35 = arith.cmpi slt, %add3A, %lt3A_34 : i32
    %convert_element_type3A_36 = arith.extui %lt3A_35 : i1 to i32
    %cond3A_37 = arith.constant 0 : i32
    %cond3A_38 = arith.cmpi ne, %convert_element_type3A_36, %cond3A_37 : i32
    scf.if %cond3A_38 {
      %dma_start3A_39 = arith.constant 0 : i32
      %dma_start3A_40 = tpu.memref_slice %arg5[%sub3A_3, %mul3A_9, %dma_start3A_39] : memref<50x50x1024xf32, #tpu.memory_space<hbm>> -> memref<1x2x1024xf32, #tpu.memory_space<hbm>>
      %dma_start3A_41 = tpu.memref_squeeze %dma_start3A_40 : memref<1x2x1024xf32, #tpu.memory_space<hbm>> -> memref<2x1024xf32, #tpu.memory_space<hbm>>
      %dma_start3A_42 = arith.constant 0 : i32
      %dma_start3A_43 = tpu.memref_slice %arg5[%sub3A_3, %mul3A_9, %dma_start3A_42] : memref<50x50x1024xf32, #tpu.memory_space<hbm>> -> memref<1x2x1024xf32, #tpu.memory_space<hbm>>
      %dma_start3A_44 = tpu.memref_squeeze %dma_start3A_43 : memref<1x2x1024xf32, #tpu.memory_space<hbm>> -> memref<2x1024xf32, #tpu.memory_space<hbm>>
      tpu.enqueue_dma source(%dma_start3A_44 : memref<2x1024xf32, #tpu.memory_space<hbm>>) target(%arg12 : memref<2x1024xf32, #tpu.memory_space<vmem>>) target_semaphore(%arg15 : memref<!tpu.dma_semaphore, #tpu.memory_space<semaphore_mem>>)
      %dma_wait3A_45 = arith.constant 0 : i32
      %dma_wait3A_46 = tpu.memref_slice %arg5[%sub3A_3, %mul3A_9, %dma_wait3A_45] : memref<50x50x1024xf32, #tpu.memory_space<hbm>> -> memref<1x2x1024xf32, #tpu.memory_space<hbm>>
      %dma_wait3A_47 = tpu.memref_squeeze %dma_wait3A_46 : memref<1x2x1024xf32, #tpu.memory_space<hbm>> -> memref<2x1024xf32, #tpu.memory_space<hbm>>
      %dma_wait3A_48 = arith.constant 0 : i32
      %dma_wait3A_49 = tpu.memref_slice %arg5[%sub3A_3, %mul3A_9, %dma_wait3A_48] : memref<50x50x1024xf32, #tpu.memory_space<hbm>> -> memref<1x2x1024xf32, #tpu.memory_space<hbm>>
      %dma_wait3A_50 = tpu.memref_squeeze %dma_wait3A_49 : memref<1x2x1024xf32, #tpu.memory_space<hbm>> -> memref<2x1024xf32, #tpu.memory_space<hbm>>
      tpu.wait_dma2 semaphore(%arg15 : memref<!tpu.dma_semaphore, #tpu.memory_space<semaphore_mem>>) src(%dma_wait3A_50 : memref<2x1024xf32, #tpu.memory_space<hbm>>) dst(%arg12 : memref<2x1024xf32, #tpu.memory_space<vmem>>)
      %dma_start3A_51 = arith.constant 0 : i32
      %dma_start3A_52 = tpu.memref_slice %arg8[%mul3A_9, %dma_start3A_51] : memref<50x1024xf32, #tpu.memory_space<hbm>> -> memref<2x1024xf32, #tpu.memory_space<hbm>>
      %dma_start3A_53 = arith.constant 0 : i32
      %dma_start3A_54 = tpu.memref_slice %arg8[%mul3A_9, %dma_start3A_53] : memref<50x1024xf32, #tpu.memory_space<hbm>> -> memref<2x1024xf32, #tpu.memory_space<hbm>>
      tpu.enqueue_dma source(%arg12 : memref<2x1024xf32, #tpu.memory_space<vmem>>) target(%dma_start3A_54 : memref<2x1024xf32, #tpu.memory_space<hbm>>) target_semaphore(%arg15 : memref<!tpu.dma_semaphore, #tpu.memory_space<semaphore_mem>>)
      %dma_wait3A_55 = arith.constant 0 : i32
      %dma_wait3A_56 = tpu.memref_slice %arg8[%mul3A_9, %dma_wait3A_55] : memref<50x1024xf32, #tpu.memory_space<hbm>> -> memref<2x1024xf32, #tpu.memory_space<hbm>>
      %dma_wait3A_57 = arith.constant 0 : i32
      %dma_wait3A_58 = tpu.memref_slice %arg8[%mul3A_9, %dma_wait3A_57] : memref<50x1024xf32, #tpu.memory_space<hbm>> -> memref<2x1024xf32, #tpu.memory_space<hbm>>
      tpu.wait_dma2 semaphore(%arg15 : memref<!tpu.dma_semaphore, #tpu.memory_space<semaphore_mem>>) src(%arg12 : memref<2x1024xf32, #tpu.memory_space<vmem>>) dst(%dma_wait3A_58 : memref<2x1024xf32, #tpu.memory_space<hbm>>)
    } else {
    }
    return
  }
}

</mosaic_0001>

<sc_bundles>
// kernel: kernel.3.cloned.1.call-start
scs
__scs_entry_jumppad:
0x0: {  	(pc) =	sbr.rel $0x88, $3  }
0x1: {  	(tag) =	ssettag $0x0;
	lr =	simm.s32 $0x1  }
0x2: {  	[smem:$0x3F9D] =	sst lr;
	_ =	strace $0xD0000000  }
0x3: {  	_ = 	snop  }
0x4: {  	_ = 	snop  }
0x5: {  	_ = 	snop  }
0x6: {  	_ = 	snop  }
0x7: {  	_ = 	snop  }
__scs_overlays_trampoline_lowered:
0x8: {  	[smem:$0x3FAC] =	sst s0  }
0x9: {  	[smem:$0x3FAD] =	sst s1  }
0xa: {  	[smem:$0x3FAE] =	sst s2  }
0xb: {  	[smem:$0x3FAF] =	sst s3  }
0xc: {  	[smem:$0x3FB0] =	sst s4  }
0xd: {  	[smem:$0x3FB1] =	sst s5  }
0xe: {  	[smem:$0x3FB2] =	sst s6  }
0xf: {  	[smem:$0x3FB3] =	sst s7  }
0x10: {  	[smem:$0x3FB4] =	sst s8  }
0x11: {  	[smem:$0x3FB5] =	sst s9;
	s0 =	simm.s32 @!p0 $0x0  }
0x12: {  	s1 =	sld [smem:$0x3F9B];
	s0 =	simm.s32 @p0 $0x1  }
0x13: {  	[smem:$0x3FB6] =	sst s0;
	s0 =	simm.s32 @!p1 $0x0  }
0x14: {  	s2 =	sld [smem:$0x3F9A];
	s0 =	simm.s32 @p1 $0x1  }
0x15: {  	[smem:$0x3FB7] =	sst s0;
	s0 =	simm.s32 @!p2 $0x0  }
0x16: {  	s3 =	sld [smem:$0x3FDB];
	s0 =	simm.s32 @p2 $0x1  }
0x17: {  	s4 =	simm.s32 $0x1BF5;
	[smem:$0x3FB9] =	sst s0  }
0x18: {  	s0 =	sld [smem:$0x3F9C];
	_ =	swait.ge [sflag:s4], $0x0  }
0x19: {  	s7 =	sld [smem:$0x3F9D]  }
0x1a: {  	s8 =	sadd.s32 $0xFFFFE003, lr  }
0x1b: {  	s9 =	sadd.s32 $0xFFFFFEF7, lr;
	s5 =	simm.s32 $0xFFFFFFFF;
	p2 =	slt.u32 s8, $0xFFFFF086  }
0x1c: {  	p1 =	slt.u32 s9, $0xF7A;
	s5 =	simm.s32 @!p2 $0x0  }
0x1d: {  	s5 =	simm.s32 @p1 $0x1;
	p0 =	seq.s32 s7, s2  }
0x1e: {  	s7 =	smul.u32 @!p0 $0xF7A, s2;
	p2 =	seq.s32 @!p0 s5, $0x0  }
0x1f: {  	s9 =	smul.u32 $0xF7A, s1;
	s8 =	simm.s32 @!p0 $0x1BF5;
	p2 =	por !p2, p0  }
0x20: {  	[sflag:s8] =	ssyncset.s32 @!p0 $0xFFFFF086;
	s6 =	sadd.s32 @!p0 s3, s7;
	s7 =	simm.s32 @!p0 $0x108  }
0x21: {  	s3 =	sadd.s32 s3, s9;
	s6 =	sadd.s32 @!p0 $0x88, s6;
	s7 =	simm.s32 @p2 $0x1082  }
0x22: {  	[simem:s7], [sflag:s8] =	dma.local @!p0 [hbm:s6], $0xF7A  }
0x23: {  	s9 =	sor.u32 $0xD0000000, s2;
	s6 =	simm.s32 $0x108;
	_ =	swait.ge @!p0 [sflag:s8], $0x0  }
0x24: {  	s3 =	sadd.s32 $0x88, s3;
	s6 =	simm.s32 @!p1 $0x1082;
	[sflag:s4] =	ssyncset.s32 $0xFFFFF086  }
0x25: {  	[simem:s6], [sflag:s4] =	dma.local [hbm:s3], $0xF7A  }
0x26: {  	[smem:$0x3F9D] =	sst s1;
	(tag) =	ssettag s2;
	_ =	strace s9  }
0x27: {  	s1 =	sld [smem:$0x3FAD]  }
0x28: {  	s2 =	sld [smem:$0x3FAE]  }
0x29: {  	s4 =	sld [smem:$0x3FB0]  }
0x2a: {  	p0 =	seq.s32 s5, $0x0;
	s5 =	sld [smem:$0x3FB1]  }
0x2b: {  	s6 =	sld [smem:$0x3FB2]  }
0x2c: {  	s7 =	sld [smem:$0x3FB3]  }
0x2d: {  	s3 =	simm.s32 $0x108;
	s8 =	sld [smem:$0x3FB4]  }
0x2e: {  	s3 =	simm.s32 @!p0 $0x1082;
	s9 =	sld [smem:$0x3FB5]  }
0x2f: {  	lr =	sadd.s32 s0, s3;
	s0 =	sld [smem:$0x3FAC]  }
0x30: {  	s3 =	sld [smem:$0x3FAF]  }
0x31: {  	[smem:$0x3FB8] =	sst s10  }
0x32: {  	s10 =	sld [smem:$0x3FB6];
	_ =	sdelay $0x3  }
0x33: {  	p0 =	seq.s32 s10, $0x1;
	s10 =	sld [smem:$0x3FB8];
	_ =	sdelay $0x3  }
0x34: {  	[smem:$0x3FB8] =	sst s10  }
0x35: {  	s10 =	sld [smem:$0x3FB7];
	_ =	sdelay $0x3  }
0x36: {  	p1 =	seq.s32 s10, $0x1;
	s10 =	sld [smem:$0x3FB8];
	_ =	sdelay $0x3  }
0x37: {  	[smem:$0x3FB8] =	sst s10  }
0x38: {  	s10 =	sld [smem:$0x3FB9]  }
0x39: {  	_ = 	snop;
	(pc) =	sbr.ind lr, $3  }
0x3a: {  	_ = 	snop  }
0x3b: {  	_ = 	snop  }
0x3c: {  	p2 =	seq.s32 s10, $0x1;
	s10 =	sld [smem:$0x3FB8]  }
0x3d: {  	_ =	shalt  }
0x3e: {  	_ =	shalt  }
0x3f: {  	_ =	shalt  }
0x40: {  	_ =	shalt  }
0x41: {  	_ =	shalt  }
0x42: {  	_ =	shalt  }
0x43: {  	_ =	shalt  }
0x44: {  	_ =	shalt  }
0x45: {  	_ =	shalt  }
0x46: {  	_ =	shalt  }
0x47: {  	_ =	shalt  }
0x48: {  	_ =	shalt  }
0x49: {  	_ =	shalt  }
0x4a: {  	_ =	shalt  }
0x4b: {  	_ =	shalt  }
0x4c: {  	_ =	shalt  }
0x4d: {  	_ =	shalt  }
0x4e: {  	_ =	shalt  }
0x4f: {  	_ =	shalt  }
0x50: {  	_ =	shalt  }
0x51: {  	_ =	shalt  }
0x52: {  	_ =	shalt  }
0x53: {  	_ =	shalt  }
0x54: {  	_ =	shalt  }
0x55: {  	_ =	shalt  }
0x56: {  	_ =	shalt  }
0x57: {  	_ =	shalt  }
0x58: {  	_ =	shalt  }
0x59: {  	_ =	shalt  }
0x5a: {  	_ =	shalt  }
0x5b: {  	_ =	shalt  }
0x5c: {  	_ =	shalt  }
0x5d: {  	_ =	shalt  }
0x5e: {  	_ =	shalt  }
0x5f: {  	_ =	shalt  }
0x60: {  	_ =	shalt  }
0x61: {  	_ =	shalt  }
0x62: {  	_ =	shalt  }
0x63: {  	_ =	shalt  }
0x64: {  	_ =	shalt  }
0x65: {  	_ =	shalt  }
0x66: {  	_ =	shalt  }
0x67: {  	_ =	shalt  }
0x68: {  	_ =	shalt  }
0x69: {  	_ =	shalt  }
0x6a: {  	_ =	shalt  }
0x6b: {  	_ =	shalt  }
0x6c: {  	_ =	shalt  }
0x6d: {  	_ =	shalt  }
0x6e: {  	_ =	shalt  }
0x6f: {  	_ =	shalt  }
0x70: {  	_ =	shalt  }
0x71: {  	_ =	shalt  }
0x72: {  	_ =	shalt  }
0x73: {  	_ =	shalt  }
0x74: {  	_ =	shalt  }
0x75: {  	_ =	shalt  }
0x76: {  	_ =	shalt  }
0x77: {  	_ =	shalt  }
0x78: {  	_ =	shalt  }
0x79: {  	_ =	shalt  }
0x7a: {  	_ =	shalt  }
0x7b: {  	_ =	shalt  }
0x7c: {  	_ =	shalt  }
0x7d: {  	_ =	shalt  }
0x7e: {  	_ =	shalt  }
0x7f: {  	_ =	shalt  }
0x80: {  	_ =	shalt  }
0x81: {  	_ =	shalt  }
0x82: {  	_ =	shalt  }
0x83: {  	_ =	shalt  }
0x84: {  	_ =	shalt  }
0x85: {  	_ =	shalt  }
0x86: {  	_ =	shalt  }
0x87: {  	_ =	shalt  }
.Lfunc_end0:
.L_simem_size_0:
called_computation_lowered:
.L_overlay_start_0:
0x88: {  	s2 =	sld [smem:$0x3FD9]  }
0x89: {  	s3 =	sld [smem:$0x3FFE];
	_ =	sdelay $0x1  }
0x8a: {  	s1 =	srdreg.scid  }
0x8b: {  	s0 =	sand.u32 $0x1, s1  }
0x8c: {  	s15 =	sshll.u32 s0, $0xA;
	s2 =	sadd.s32 s3, s2  }
0x8d: {  	s2 =	sadd.s32 s2, s15  }
0x8e: {  	[smem:$0x3FC4] =	sst s2  }
0x8f: {  	_ = 	snop  }
0x90: {  	s2 =	sld [smem:$0x3FC9]  }
0x91: {  	s16 =	sld [smem:$0x3FD0]  }
0x92: {  	s4 =	sld [smem:$0x3FC8]  }
0x93: {  	s5 =	sld [smem:$0x3FC7]  }
0x94: {  	s7 =	simm.s32 $0xA;
	s8 =	simm.s32 $0x10;
	s6 =	sld [smem:$0x3FC6]  }
0x95: {  	[smem:s8], [sflag:s7] =	dma.local [hbm:s16], $0x1  }
0x96: {  	_ =	swait.eq [sflag:s7], $0x1  }
0x97: {  	s17 =	sld [smem:$0x10];
	[sflag:s7] =	ssyncset.done $0x0  }
0x98: {  	s18 =	sld [smem:$0x11];
	[sflag:s7] =	ssyncadd.s32 $0xFFFFFFFF  }
0x99: {  	s19 =	sld [smem:$0x12];
	(tm) =	ssettm $0x1  }
0x9a: {  	s9 =	sld [smem:$0x3FFB];
	_ =	sdelay $0x3  }
0x9b: {  	_ =	strace s9  }
0x9c: {  	s9 =	sld [smem:$0x3FFC];
	_ =	sdelay $0x3  }
0x9d: {  	_ =	strace s9  }
0x9e: {  	s9 =	sld [smem:$0x3FFD];
	_ =	sdelay $0x3  }
0x9f: {  	_ =	strace s9  }
0xa0: {  	_ =	strace $0x8FFFFFFF  }
0xa1: {  	s20 =	sld [smem:$0x3FDB];
	_ =	sdelay $0x1  }
0xa2: {  	s10 =	simm.s32 $_scs_section_size  }
0xa3: {  	s11 =	simm.s32 $_size__tile_overlayer_lowered;
	s12 =	simm.s32 $_tile_overlayer_lowered  }
0xa4: {  	s23 =	simm.s32 $0x1BFF;
	s22 =	sshll.u32 s12, $0x1;
	s9 =	sadd.s32 s10, s20  }
0xa5: {  	s13 =	simm.s32 $0x0;
	s21 =	sshll.u32 s11, $0x1;
	s11 =	sadd.s32 s22, s9  }
0xa6: {  	[timem:s13], [sflag:s23] =	dma.local [hbm:s11], s21  }
0xa7: {  	_ =	swait.ge [sflag:s23], s21  }
0xa8: {  	s10 =	ssub.s32 $0x0, s21;
	[sflag:s23] =	ssyncset.done $0x0  }
0xa9: {  	[sflag:s23] =	ssyncadd.s32 s10;
	_ =	sdelay $0x1  }
0xaa: {  	s24 =	simm.s32 $0x1B8B  }
0xab: {  	_ =	swait.ge [sflag:s24], $0x1  }
0xac: {  	[sflag:s24] =	ssyncset.done $0x0  }
0xad: {  	s25 =	simm.s32 $0x1B8E;
	[sflag:s24] =	ssyncadd.s32 $0xFFFFFFFF  }
0xae: {  	s26 =	simm.s32 $execute0_lowered;
	[smem:$0x3FD2] =	sst s25  }
0xaf: {  	s10 =	sshll.u32 s26, $0x1;
	_ =	strace $0x80000046;
	[dreg:$0x1] =	wrdreg $0xFFFFFFFF  }
0xb0: {  	s28 =	simm.s32 $_size_execute0_lowered;
	s9 =	sadd.s32 s9, s10;
	[dreg:$0x0] =	wrdreg $0x0  }
0xb1: {  	s10 =	sshll.u32 s28, $0x1;
	[dreg:$0x2] =	wrdreg s9  }
0xb2: {  	[dreg:$0x3] =	wrdreg s10  }
0xb3: {  	[dreg:$0x4] =	wrdreg $0xC0  }
0xb4: {  	_ =	task [dreg:s13], $0x5FFFF  }
0xb5: {  	[dreg:$0x1] =	wrdreg $0xFFFFFFFF  }
0xb6: {  	[dreg:$0x0] =	wrdreg $0x60  }
0xb7: {  	[dreg:$0x2] =	wrdreg s6  }
0xb8: {  	[dreg:$0x3] =	wrdreg s2  }
0xb9: {  	[dreg:$0x4] =	wrdreg s4  }
0xba: {  	[dreg:$0x5] =	wrdreg s5  }
0xbb: {  	[dreg:$0x6] =	wrdreg s17  }
0xbc: {  	[dreg:$0x7] =	wrdreg s18  }
0xbd: {  	[dreg:$0x8] =	wrdreg s19  }
0xbe: {  	[dreg:$0x9] =	wrdreg $0x9  }
0xbf: {  	_ =	task.clear_ibuf [dreg:s13], $0xAFFFF;
	_ =	strace $0x90000046  }
0xc0: {  	s29 =	simm.s32 $0x9;
	_ =	strace $0x80000048  }
0xc1: {  	_ =	swait.ge [sflag:s29], $0x1  }
0xc2: {  	[sflag:s29] =	ssyncadd.s32 $0xFFFFFFFF  }
0xc3: {  	_ =	strace $0x90000048  }
0xc4: {  	_ =	sfence  }
0xc5: {  	s30 =	sld [smem:$0x0];
	_ =	sdelay $0x2  }
0xc6: {  	s31 =	sshll.u32 s1, $0xD;
	s1 =	sshrl.u32 s1, $0x2  }
0xc7: {  	s3 =	sand.u32 $0x4000, s31;
	s1 =	sadd.s32 s1, s30  }
0xc8: {  	s0 =	sor.u32 s3, s0;
	s1 =	sshll.u32 s1, $0x11  }
0xc9: {  	s0 =	sor.u32 s1, s0  }
0xca: {  	s0 =	sadd.s32 $0x8F2B, s0  }
0xcb: {  	[sflag:s0] =	ssyncadd.remote.s32 $0x1  }
0xcc: {  	_ =	sfence.sel $0xFFFF  }
0xcd: {  	[dreg:$0x0] =	wrdreg $0xFFFFFFFF;
	(pc) =	sbr.abs _section_cstart, $3  }
0xce: {  	[dreg:$0x1] =	wrdreg $0xFFFFFFFF  }
0xcf: {  	_ =	task.clear_ibuf [dreg:s13], $0x2FFFF;
	_ =	strace $0x9FFFFFFF  }
0xd0: {  	(tm) =	ssettm $0x7FFFFFFF  }
0xd1: {  	_ =	shalt  }
tec
execute0_lowered:
.L_overlay_start_1:
0x0: {  	(tag) =	ssettag $0x1  }
0x1: {  	s0 =	rddreg [dreg:$0x0]  }
0x2: {  	s19 =	rddreg [dreg:$0x1]  }
0x3: {  	s2 =	rddreg [dreg:$0x2]  }
0x4: {  	s20 =	rddreg [dreg:$0x3]  }
0x5: {  	s3 =	rddreg [dreg:$0x4]  }
0x6: {  	s6 =	rddreg [dreg:$0x5]  }
0x7: {  	s7 =	rddreg [dreg:$0x6]  }
0x8: {  	[dreg:$0x8] =	wrdreg s0  }
0x9: {  	s4 =	srdreg.scid;
	[dreg:$0xa] =	wrdreg s19  }
0xa: {  	s1 =	stileid.u32;
	s5 =	simm.s32 $0x0;
	[dreg:$0xe] =	wrdreg s20  }
0xb: {  	p2 =	por $0x0, $0x0;
	s0 =	rddreg [dreg:$0x7];
	s4 =	sand.u32 $0x1, s4  }
0xc: {  	s8 =	sshll.u32 s1, $0x1;
	[smem:$0x7FF] =	sst s5;
	s22 =	sshll.u32 s1, $0xC  }
0xd: {  	s9 =	sor.u32 s4, s8;
	_ =	strace $0x80000047;
	s11 =	ssub.s32 $0x2, s4  }
0xe: {  	s8 =	sshll.u32 s9, $0xD;
	s21 =	sshll.u32 s9, $0xA;
	s29 =	sshrl.u32 s11, $0x1  }
0xf: {  	s10 =	sshll.u32 s9, $0x8;
	s24 =	sshll.u32 s9, $0xC;
	s30 =	ssub.s32 s11, s29  }
0x10: {  	s25 =	sshll.u32 s9, $0xF;
	s20 =	rddreg [dreg:$0x8];
	s31 =	smax.u32 s30, $0x1  }
0x11: {  	p0 =	sne.s32 s9, $0x1F;
	[dreg:$0x9] =	wrdreg s8;
	s19 =	sadd.s32 $0xFFFFFFFF, s31  }
0x12: {  	s3 =	sadd.s32 s3, s21;
	s23 =	sor.u32 s10, s22;
	p3 =	sne.s32 s19, $0x0  }
.Ltmp0:
0x13: {  	[dreg:$0xc] =	wrdreg s25;
	s26 =	sadd.s32 s6, s24;
	(pc) =	sbr.rel @!p3 .LBB2_1-.Ltmp0, $4  }
0x14: {  	s8 =	simm.s32 $0x4;
	[dreg:$0xb] =	wrdreg s3;
	s4 =	sand.u32 $0xE300, s23  }
0x15: {  	p1 =	sgt.u32 @p0 s9, $0x18;
	[dreg:$0xd] =	wrdreg s26;
	s28 =	sshrl.u32 s4, $0x3  }
0x16: {  	s3 =	sadd.s32 $0x1F000, s6;
	s6 =	simm.s32 $0x1;
	s7 =	sadd.s32 s7, s28  }
0x17: {  	p1 =	por p1, !p0;
	[dreg:$0xf] =	wrdreg s7;
	s7 =	simm.s32 $0x80  }
0x18: {  	[tilespmem:s5], [sflag:$0x4] =	stream.linear.gather [hbm4b:s20+s5], $0x1, $0x38;
	[tilespmem:$0xA880] =	vst v63  }
0x19: {  	_ =	swait.ge [sflag:s8], $0x1  }
0x1a: {  	[sflag:s8] =	ssyncset.done $0x0  }
0x1b: {  	[sflag:s8] =	ssyncadd.s32 $0xFFFFFFFF  }
0x1c: {  	v0 =	vld [tilespmem:$0x0];
	_ =	sdelay $0x4  }
0x1d: {  	(v2sf) =	vpush v0, $0x0;
	_ =	sdelay $0xe  }
0x1e: {  	s10 =	spop (v2sf)  }
0x1f: {  	s12 =	sadd.s32 $0xFFFFFFFF, s10  }
0x20: {  	s9 =	rddreg [dreg:$0x9];
	s10 =	sshll.u32 s12, $0x12  }
0x21: {  	s9 =	sor.u32 s9, s10  }
0x22: {  	s11 =	rddreg [dreg:$0xa];
	s9 =	sshrl.u32 s9, $0x3  }
0x23: {  	s9 =	sadd.s32 s11, s9  }
0x24: {  	[tilespmem:s7], [sflag:$0x1] =	stream.linear.gather [hbm4b:s9+s5], $0x2000, $0x38;
	[tilespmem:$0xA880] =	vst v63  }
0x25: {  	_ =	swait.ge [sflag:s6], $0x2000  }
0x26: {  	[sflag:s6] =	ssyncset.done $0x0  }
0x27: {  	s31 =	rddreg [dreg:$0xb];
	[sflag:s6] =	ssyncadd.s32 $0xFFFFE000  }
0x28: {  	[hbm4b:s31+s5] =	stream.linear.scatter [tilespmem:s7], [sflag:$0x1], $0x2000, $0x38;
	[tilespmem:$0xA880] =	vst v63  }
0x29: {  	s16 =	smul.u32 $0xFA000, s12;
	_ =	swait.ge [sflag:s6], $0x2000  }
0x2a: {  	s10 =	rddreg [dreg:$0xc]  }
0x2b: {  	s12 =	smul.u32 @!p1 $0xE000, s12;
	s9 =	simm.s32 @p0 $0x2;
	s11 =	sadd.s32 @p0 s10, s16  }
0x2c: {  	[sflag:s6] =	ssyncset.done $0x0;
	s10 =	simm.s32 @p0 $0x2080;
	s11 =	sshrl.u32 @p0 s11, $0x3  }
0x2d: {  	[sflag:s6] =	ssyncadd.s32 $0xFFFFE000;
	s13 =	sadd.s32 @p0 s2, s11;
	s11 =	simm.s32 @p0 $0x0  }
0x2e: {  	[tilespmem:s10], [sflag:$0x2] =	stream.linear.gather @p0 [hbm4b:s13+s11], $0x8000, $0x38;
	[tilespmem:$0xA880] =	vst v63  }
0x2f: {  	_ =	swait.ge @p0 [sflag:s9], $0x8000  }
0x30: {  	s14 =	sadd.s32 @!p1 s4, s12;
	[sflag:s9] =	ssyncset.done @p0 $0x0  }
0x31: {  	s12 =	simm.s32 @!p1 $0xA080;
	s13 =	rddreg [dreg:$0xd];
	[sflag:s9] =	ssyncadd.s32 @p0 $0xFFFF8000  }
0x32: {  	[hbm4b:s13+s11] =	stream.linear.scatter @p0 [tilespmem:s10], [sflag:$0x2], $0x8000, $0x38;
	[tilespmem:$0xA880] =	vst v63  }
0x33: {  	s17 =	sshrl.u32 @!p1 s14, $0x3;
	s14 =	simm.s32 @!p1 $0x400;
	_ =	swait.ge @p0 [sflag:s9], $0x8000  }
0x34: {  	s13 =	simm.s32 @!p1 $0x3;
	s15 =	rddreg [dreg:$0xe];
	[sflag:s9] =	ssyncset.done @p0 $0x0  }
0x35: {  	[sflag:s9] =	ssyncadd.s32 @p0 $0xFFFF8000;
	s17 =	sadd.s32 @!p1 s15, s17;
	s15 =	simm.s32 @!p1 $0x100  }
0x36: {  	[tilespmem:s12], [sflag:$0x3] =	stream.strided.gather @!p1 [hbm4b:s17+s15], $0x800, s14, s15, $0x38;
	[tilespmem:$0xA880] =	vst v63  }
0x37: {  	_ =	swait.ge @!p1 [sflag:s13], $0x800  }
0x38: {  	[sflag:s13] =	ssyncset.done @!p1 $0x0  }
0x39: {  	s16 =	sadd.s32 @!p0 $0xF8000, s16;
	s17 =	rddreg [dreg:$0xf];
	[sflag:s13] =	ssyncadd.s32 @!p1 $0xFFFFF800  }
0x3a: {  	[hbm4b:s17+s15] =	stream.strided.scatter @!p1 [tilespmem:s12], [sflag:$0x3], $0x800, s14, s15, $0x38;
	[tilespmem:$0xA880] =	vst v63  }
0x3b: {  	s19 =	sadd.s32 $0xFFFFFFFF, s19;
	s18 =	sshrl.u32 @!p0 s16, $0x3;
	_ =	swait.ge @!p1 [sflag:s13], $0x800  }
0x3c: {  	s16 =	simm.s32 @!p0 $0x2;
	s20 =	sadd.s32 @!p0 s2, s18;
	[sflag:s13] =	ssyncset.done @!p1 $0x0  }
0x3d: {  	s18 =	simm.s32 @!p0 $0x0;
	s17 =	simm.s32 @!p0 $0x2080;
	[sflag:s13] =	ssyncadd.s32 @!p1 $0xFFFFF800  }
0x3e: {  	[tilespmem:s17], [sflag:$0x2] =	stream.linear.gather @!p0 [hbm4b:s20+s18], $0x2000, $0x38;
	[tilespmem:$0xA880] =	vst v63  }
0x3f: {  	p3 =	sne.s32 s19, $0x0;
	_ =	swait.ge @!p0 [sflag:s16], $0x2000  }
.Ltmp1:
0x40: {  	[sflag:s16] =	ssyncset.done @!p0 $0x0;
	(pc) =	sbr.rel @!p3 .LBB2_4-.Ltmp1, $4  }
0x41: {  	[sflag:s16] =	ssyncadd.s32 @!p0 $0xFFFFE000  }
0x42: {  	[hbm4b:s3+s18] =	stream.linear.scatter @!p0 [tilespmem:s17], [sflag:$0x2], $0x2000, $0x38;
	[tilespmem:$0xA880] =	vst v63  }
0x43: {  	_ =	swait.ge @!p0 [sflag:s16], $0x2000  }
0x44: {  	p2 =	por $0x1, $0x1;
	s20 =	rddreg [dreg:$0x8];
	[sflag:s16] =	ssyncset.done @!p0 $0x0  }
.LBB2_3:
0x45: {  	[sflag:s16] =	ssyncadd.s32 @!p0 $0xFFFFE000  }
0x46: {  	[tilespmem:s5], [sflag:$0x4] =	stream.linear.gather [hbm4b:s20+s5], $0x1, $0x38;
	[tilespmem:$0xA880] =	vst v63  }
0x47: {  	_ =	swait.ge [sflag:s8], $0x1  }
0x48: {  	[sflag:s8] =	ssyncset.done $0x0  }
0x49: {  	[sflag:s8] =	ssyncadd.s32 $0xFFFFFFFF  }
0x4a: {  	v0 =	vld [tilespmem:$0x0];
	_ =	sdelay $0x4  }
0x4b: {  	(v2sf) =	vpush v0, $0x0;
	_ =	sdelay $0xe  }
0x4c: {  	s21 =	spop (v2sf)  }
0x4d: {  	s21 =	sadd.s32 $0xFFFFFFFF, s21  }
0x4e: {  	s30 =	rddreg [dreg:$0x9];
	s22 =	sshll.u32 s21, $0x12  }
0x4f: {  	s20 =	sor.u32 s30, s22  }
0x50: {  	s23 =	rddreg [dreg:$0xa];
	s20 =	sshrl.u32 s20, $0x3  }
0x51: {  	s20 =	sadd.s32 s23, s20  }
0x52: {  	[tilespmem:s7], [sflag:$0x1] =	stream.linear.gather [hbm4b:s20+s5], $0x2000, $0x38;
	[tilespmem:$0xA880] =	vst v63  }
0x53: {  	_ =	swait.ge [sflag:s6], $0x2000  }
0x54: {  	[sflag:s6] =	ssyncset.done $0x0  }
0x55: {  	s24 =	smul.u32 @!p1 $0xE000, s21;
	s31 =	rddreg [dreg:$0xb];
	[sflag:s6] =	ssyncadd.s32 $0xFFFFE000  }
0x56: {  	[hbm4b:s31+s5] =	stream.linear.scatter [tilespmem:s7], [sflag:$0x1], $0x2000, $0x38;
	[tilespmem:$0xA880] =	vst v63  }
0x57: {  	s21 =	smul.u32 $0xFA000, s21;
	_ =	swait.ge [sflag:s6], $0x2000  }
0x58: {  	s20 =	rddreg [dreg:$0xc]  }
0x59: {  	s20 =	sadd.s32 @p0 s20, s21  }
0x5a: {  	[sflag:s6] =	ssyncset.done $0x0;
	s20 =	sshrl.u32 @p0 s20, $0x3  }
0x5b: {  	[sflag:s6] =	ssyncadd.s32 $0xFFFFE000;
	s20 =	sadd.s32 @p0 s2, s20  }
0x5c: {  	[tilespmem:s10], [sflag:$0x2] =	stream.linear.gather @p0 [hbm4b:s20+s11], $0x8000, $0x38;
	[tilespmem:$0xA880] =	vst v63  }
0x5d: {  	_ =	swait.ge @p0 [sflag:s9], $0x8000  }
0x5e: {  	[sflag:s9] =	ssyncset.done @p0 $0x0  }
0x5f: {  	s20 =	rddreg [dreg:$0xd];
	[sflag:s9] =	ssyncadd.s32 @p0 $0xFFFF8000  }
0x60: {  	[hbm4b:s20+s11] =	stream.linear.scatter @p0 [tilespmem:s10], [sflag:$0x2], $0x8000, $0x38;
	[tilespmem:$0xA880] =	vst v63  }
0x61: {  	s22 =	sadd.s32 @!p1 s4, s24;
	_ =	swait.ge @p0 [sflag:s9], $0x8000  }
0x62: {  	s22 =	sshrl.u32 @!p1 s22, $0x3;
	s20 =	rddreg [dreg:$0xe];
	[sflag:s9] =	ssyncset.done @p0 $0x0  }
0x63: {  	[sflag:s9] =	ssyncadd.s32 @p0 $0xFFFF8000;
	s20 =	sadd.s32 @!p1 s20, s22  }
0x64: {  	[tilespmem:s12], [sflag:$0x3] =	stream.strided.gather @!p1 [hbm4b:s20+s15], $0x800, s14, s15, $0x38;
	[tilespmem:$0xA880] =	vst v63  }
0x65: {  	_ =	swait.ge @!p1 [sflag:s13], $0x800  }
0x66: {  	[sflag:s13] =	ssyncset.done @!p1 $0x0  }
0x67: {  	s20 =	rddreg [dreg:$0xf];
	[sflag:s13] =	ssyncadd.s32 @!p1 $0xFFFFF800  }
0x68: {  	[hbm4b:s20+s15] =	stream.strided.scatter @!p1 [tilespmem:s12], [sflag:$0x3], $0x800, s14, s15, $0x38;
	[tilespmem:$0xA880] =	vst v63  }
0x69: {  	s21 =	sadd.s32 @!p0 $0xF8000, s21;
	_ =	swait.ge @!p1 [sflag:s13], $0x800  }
0x6a: {  	s21 =	sshrl.u32 @!p0 s21, $0x3;
	[sflag:s13] =	ssyncset.done @!p1 $0x0  }
0x6b: {  	s19 =	sadd.s32 $0xFFFFFFFF, s19;
	s20 =	sadd.s32 @!p0 s2, s21;
	[sflag:s13] =	ssyncadd.s32 @!p1 $0xFFFFF800  }
0x6c: {  	[tilespmem:s17], [sflag:$0x2] =	stream.linear.gather @!p0 [hbm4b:s20+s18], $0x2000, $0x38;
	[tilespmem:$0xA880] =	vst v63  }
0x6d: {  	p3 =	sne.s32 s19, $0x0;
	_ =	swait.ge @!p0 [sflag:s16], $0x2000  }
.Ltmp2:
0x6e: {  	[sflag:s16] =	ssyncset.done @!p0 $0x0;
	(pc) =	sbr.rel @p3 .LBB2_3-.Ltmp2, $4  }
0x6f: {  	[sflag:s16] =	ssyncadd.s32 @!p0 $0xFFFFE000  }
0x70: {  	[hbm4b:s3+s18] =	stream.linear.scatter @!p0 [tilespmem:s17], [sflag:$0x2], $0x2000, $0x38;
	[tilespmem:$0xA880] =	vst v63  }
0x71: {  	_ =	swait.ge @!p0 [sflag:s16], $0x2000  }
0x72: {  	s20 =	rddreg [dreg:$0x8];
	[sflag:s16] =	ssyncset.done @!p0 $0x0  }
.LBB2_4:
0x73: {  	p2 =	por p0, !p2  }
0x74: {  	[sflag:s16] =	ssyncadd.s32 @!p2 $0xFFFFE000  }
0x75: {  	[tilespmem:s5], [sflag:$0x4] =	stream.linear.gather [hbm4b:s20+s5], $0x1, $0x38;
	[tilespmem:$0xA880] =	vst v63  }
0x76: {  	_ =	swait.ge [sflag:s8], $0x1  }
0x77: {  	[sflag:s8] =	ssyncset.done $0x0  }
0x78: {  	[sflag:s8] =	ssyncadd.s32 $0xFFFFFFFF  }
0x79: {  	v0 =	vld [tilespmem:$0x0];
	_ =	sdelay $0x4  }
0x7a: {  	(v2sf) =	vpush v0, $0x0;
	_ =	sdelay $0xe  }
0x7b: {  	s9 =	spop (v2sf)  }
0x7c: {  	s9 =	sadd.s32 $0xFFFFFFFF, s9  }
0x7d: {  	s30 =	rddreg [dreg:$0x9];
	s10 =	sshll.u32 s9, $0x12  }
0x7e: {  	s8 =	sor.u32 s30, s10  }
0x7f: {  	s11 =	rddreg [dreg:$0xa];
	s8 =	sshrl.u32 s8, $0x3  }
0x80: {  	s8 =	sadd.s32 s11, s8  }
0x81: {  	[tilespmem:s7], [sflag:$0x1] =	stream.linear.gather [hbm4b:s8+s5], $0x2000, $0x38;
	[tilespmem:$0xA880] =	vst v63  }
0x82: {  	_ =	swait.ge [sflag:s6], $0x2000  }
0x83: {  	[sflag:s6] =	ssyncset.done $0x0  }
0x84: {  	s31 =	rddreg [dreg:$0xb];
	[sflag:s6] =	ssyncadd.s32 $0xFFFFE000  }
0x85: {  	[hbm4b:s31+s5] =	stream.linear.scatter [tilespmem:s7], [sflag:$0x1], $0x2000, $0x38;
	[tilespmem:$0xA880] =	vst v63  }
0x86: {  	s7 =	smul.u32 $0xFA000, s9;
	_ =	swait.ge [sflag:s6], $0x2000  }
0x87: {  	s5 =	rddreg [dreg:$0xc]  }
0x88: {  	s10 =	simm.s32 @p0 $0x2080;
	s5 =	sadd.s32 @p0 s5, s7  }
0x89: {  	s8 =	simm.s32 @p0 $0x2;
	[sflag:s6] =	ssyncset.done $0x0;
	s5 =	sshrl.u32 @p0 s5, $0x3  }
0x8a: {  	[sflag:s6] =	ssyncadd.s32 $0xFFFFE000;
	s6 =	simm.s32 @p0 $0x0;
	s5 =	sadd.s32 @p0 s2, s5  }
0x8b: {  	[tilespmem:s10], [sflag:$0x2] =	stream.linear.gather @p0 [hbm4b:s5+s6], $0x8000, $0x38;
	[tilespmem:$0xA880] =	vst v63  }
0x8c: {  	_ =	swait.ge @p0 [sflag:s8], $0x8000  }
0x8d: {  	[sflag:s8] =	ssyncset.done @p0 $0x0  }
0x8e: {  	s5 =	rddreg [dreg:$0xd];
	[sflag:s8] =	ssyncadd.s32 @p0 $0xFFFF8000  }
0x8f: {  	[hbm4b:s5+s6] =	stream.linear.scatter @p0 [tilespmem:s10], [sflag:$0x2], $0x8000, $0x38;
	[tilespmem:$0xA880] =	vst v63  }
0x90: {  	s5 =	smul.u32 @!p1 $0xE000, s9  }
0x91: {  	s9 =	simm.s32 @!p1 $0x3;
	_ =	swait.ge @p0 [sflag:s8], $0x8000  }
0x92: {  	s10 =	simm.s32 @!p1 $0x400;
	s6 =	rddreg [dreg:$0xe];
	s4 =	sadd.s32 @!p1 s4, s5  }
0x93: {  	s5 =	simm.s32 @!p1 $0xA080;
	[sflag:s8] =	ssyncset.done @p0 $0x0;
	s4 =	sshrl.u32 @!p1 s4, $0x3  }
0x94: {  	[sflag:s8] =	ssyncadd.s32 @p0 $0xFFFF8000;
	s4 =	sadd.s32 @!p1 s6, s4;
	s6 =	simm.s32 @!p1 $0x100  }
0x95: {  	[tilespmem:s5], [sflag:$0x3] =	stream.strided.gather @!p1 [hbm4b:s4+s6], $0x800, s10, s6, $0x38;
	[tilespmem:$0xA880] =	vst v63  }
0x96: {  	_ =	swait.ge @!p1 [sflag:s9], $0x800  }
0x97: {  	[sflag:s9] =	ssyncset.done @!p1 $0x0  }
0x98: {  	s7 =	sadd.s32 @!p0 $0xF8000, s7;
	s4 =	rddreg [dreg:$0xf];
	[sflag:s9] =	ssyncadd.s32 @!p1 $0xFFFFF800  }
0x99: {  	[hbm4b:s4+s6] =	stream.strided.scatter @!p1 [tilespmem:s5], [sflag:$0x3], $0x800, s10, s6, $0x38;
	[tilespmem:$0xA880] =	vst v63  }
0x9a: {  	s4 =	sshrl.u32 @!p0 s7, $0x3;
	_ =	swait.ge @!p1 [sflag:s9], $0x800  }
0x9b: {  	s5 =	simm.s32 @!p0 $0x2080;
	s6 =	simm.s32 @!p0 $0x2;
	[sflag:s9] =	ssyncset.done @!p1 $0x0  }
0x9c: {  	s2 =	sadd.s32 @!p0 s2, s4;
	s4 =	simm.s32 @!p0 $0x0;
	[sflag:s9] =	ssyncadd.s32 @!p1 $0xFFFFF800  }
0x9d: {  	[tilespmem:s5], [sflag:$0x2] =	stream.linear.gather @!p0 [hbm4b:s2+s4], $0x2000, $0x38;
	[tilespmem:$0xA880] =	vst v63  }
0x9e: {  	_ =	swait.ge @!p0 [sflag:s6], $0x2000  }
0x9f: {  	[sflag:s6] =	ssyncset.done @!p0 $0x0  }
0xa0: {  	[sflag:s6] =	ssyncadd.s32 @!p0 $0xFFFFE000  }
0xa1: {  	[hbm4b:s3+s4] =	stream.linear.scatter @!p0 [tilespmem:s5], [sflag:$0x2], $0x2000, $0x38;
	[tilespmem:$0xA880] =	vst v63  }
0xa2: {  	_ =	swait.ge @!p0 [sflag:s6], $0x2000  }
0xa3: {  	[sflag:s6] =	ssyncset.done @!p0 $0x0  }
0xa4: {  	[sflag:s6] =	ssyncadd.s32 @!p0 $0xFFFFE000  }
0xa5: {  	_ =	sfence.sel $0x180000  }
0xa6: {  	[bflag:$0x0] =	sbarrier.arrive $0xFFFF  }
0xa7: {  	p0 =	sne.s32 s1, $0x0;
	_ =	strace $0x90000047  }
0xa8: {  	s0 =	sadd.s32 @!p0 $0x100000, s0;
	[bflag:$0x2] =	sbarrier.arrive $0xFFFF  }
0xa9: {  	[sflag:s0] =	ssyncadd.tile.s32 @!p0 $0x1;
	_ =	shalt  }
.LBB2_1:
.Ltmp3:
0xaa: {  	(pc) =	sbr.rel .LBB2_4-.Ltmp3, $2  }
0xab: {  	_ =	sdelay $0x2  }
0xac: {  	_ = 	snop  }
.Lfunc_end2:
_tile_overlayer_lowered:
.L_overlay_start_2:
0xad: {  	(tag) =	ssettag $0x2  }
0xae: {  	s0 =	rddreg [dreg:$0x0];
	s2 =	stileid.u32  }
0xaf: {  	s1 =	rddreg [dreg:$0x1];
	p0 =	sne.s32 s2, $0x0  }
0xb0: {  	s3 =	rddreg [dreg:$0x2];
	[bflag:$0x3] =	sbarrier.arrive $0xFFFF;
	s2 =	simm.s32 @!p0 $0x1C04  }
0xb1: {  	[timem:s3], [sflag:s2] =	dma.local @!p0 [hbm:s0], s1  }
0xb2: {  	s0 =	simm.s32 @!p0 $0x4  }
0xb3: {  	_ =	swait.ge @!p0 [sflag:s0], s1  }
0xb4: {  	s1 =	ssub.s32 @!p0 $0x0, s1;
	[sflag:s0] =	ssyncset.done @!p0 $0x0  }
0xb5: {  	[sflag:s0] =	ssyncadd.s32 @!p0 s1  }
0xb6: {  	[bflag:$0x3] =	sbarrier.arrive $0xFFFF  }
0xb7: {  	_ =	shalt  }

</sc_bundles>
